<compile_context>
chip_gen: v7x
topology: tpu7x:2x2x1
jax: 0.10.2.dev20260603
libtpu: 0.0.44.dev20260713+nightly
codegen_flags: <defaults>
</compile_context>

<pallas_src>
import functools

import jax
import jax.numpy as jnp
from jax import lax
from jax.experimental import pallas as pl
from jax.experimental.pallas import tpu as pltpu
from jax.experimental.pallas import tpu_sc as plsc

D = 64
BATCH = 16384
NROWS = 100000
NC, NS, L = 2, 16, 16
NW = NC * NS
PASSES = D // NW
CHUNK = 2048
NCH = BATCH // CHUNK
UNROLL = 8

_mesh = plsc.VectorSubcoreMesh(core_axis_name="c", subcore_axis_name="s")


@functools.partial(
    pl.kernel,
    mesh=_mesh,
    out_type=jax.ShapeDtypeStruct((D, BATCH), jnp.float32),
    scratch_types=[
        pltpu.VMEM((NROWS,), jnp.float32),
        pltpu.VMEM((BATCH,), jnp.int32),
        pltpu.VMEM((CHUNK,), jnp.float32),
        pltpu.VMEM((CHUNK,), jnp.float32),
        pltpu.VMEM((CHUNK,), jnp.float32),
        pltpu.VMEM((CHUNK,), jnp.float32),
        pltpu.SemaphoreType.DMA,
        pltpu.SemaphoreType.DMA,
        pltpu.SemaphoreType.DMA,
        pltpu.SemaphoreType.DMA,
        pltpu.SemaphoreType.DMA,
        pltpu.SemaphoreType.DMA,
    ],
    compiler_params=pltpu.CompilerParams(
        use_tc_tiling_on_sc=True,
        needs_layout_passes=False,
        disable_bounds_checks=True,
        disable_semaphore_checks=True,
        skip_device_barrier=True,
    ),
)
def _proto_add_t(in_t, idx_hbm, knobs_t, out_t,
                 row_v, idx_v, ib0, ib1, ob0, ob1,
                 sem_row, sem_idx, sem_i0, sem_i1, sem_o0, sem_o1):
    w = lax.axis_index("s") * NC + lax.axis_index("c")
    ib = (ib0, ib1)
    ob = (ob0, ob1)
    sem_i = (sem_i0, sem_i1)
    sem_o = (sem_o0, sem_o1)
    c0 = w
    c1 = NW + w

    def in_copy(c, b0, par):
        return pltpu.async_copy(
            in_t.at[c].at[pl.ds(b0, CHUNK)], ib[par], sem_i[par]
        )

    def out_copy(c, b0, par):
        return pltpu.async_copy(
            ob[par], out_t.at[c].at[pl.ds(b0, CHUNK)], sem_o[par]
        )

    def in_wait(par):
        pltpu.make_async_copy(
            in_t.at[c0].at[pl.ds(0, CHUNK)], ib[par], sem_i[par]
        ).wait()

    def out_wait(par):
        pltpu.make_async_copy(
            ob[par], out_t.at[c0].at[pl.ds(0, CHUNK)], sem_o[par]
        ).wait()

    def row_wait():
        pltpu.make_async_copy(knobs_t.at[c0], row_v, sem_row).wait()

    def gather_chunk(b0, par):
        @plsc.parallel_loop(0, CHUNK, L, unroll=UNROLL)
        def _gather_add(k, ibuf=ib[par], obuf=ob[par]):
            s = pl.ds(k, L)
            i16 = idx_v[pl.ds(b0 + k, L)]
            g = plsc.load_gather(row_v, [i16])
            obuf[s] = ibuf[s] + g

    h_idx = pltpu.async_copy(idx_hbm, idx_v, sem_idx)
    in_copy(c0, 0, 0)
    in_copy(c0, CHUNK, 1)
    pltpu.async_copy(knobs_t.at[c0], row_v, sem_row)
    h_idx.wait()

    NPAIR = PASSES * NCH // 2

    def pair(jj, carry):
        @pl.when(lax.rem(jj, NCH // 2) == 0)
        def _():
            row_wait()
        c = jnp.where(jj < NCH // 2, c0, c1)
        base = pl.multiple_of(lax.rem(jj, NCH // 2) * (2 * CHUNK), 2 * CHUNK)
        for par in range(2):
            b0 = base + par * CHUNK
            in_wait(par)
            @pl.when(jj >= 1)
            def _():
                out_wait(par)
            gather_chunk(b0, par)
            if par == 1:
                @pl.when(jj == NCH // 2 - 1)
                def _():
                    pltpu.async_copy(knobs_t.at[c1], row_v, sem_row)
            out_copy(c, b0, par)
            g = 2 * jj + par + 2
            @pl.when(g < 2 * NPAIR)
            def _():
                nc = jnp.where(g >= NCH, c1, c0)
                in_copy(nc, pl.multiple_of(lax.rem(g * CHUNK, BATCH), CHUNK), par)
        return carry

    lax.fori_loop(0, NPAIR, pair, 0)
    out_wait(0)
    out_wait(1)


def kernel(in_repr, mask_idx, prototype_knobs):
    out_t = _proto_add_t(in_repr.T, mask_idx.astype(jnp.int32), prototype_knobs.T)
    return out_t.T

# --- scband reference (transcript-rebuilt; emitter-appended) ---
"""Pipeline reference for scband-prototype-add-14525579395110 (READ-ONLY COPY).

The authoritative reference and input builder live on the scoring server;
editing this copy changes nothing except your own understanding.
"""

import jax, jax.numpy as jnp
import numpy as np

N_PROTOTYPES = 64
N_MASKS = 100000
BATCH = 16384

def setup_inputs(seed: int = 0) -> dict:
    key = jax.random.key(seed)
    k1, k2, k3 = jax.random.split(key, 3)
    in_repr = jax.random.normal(k1, (BATCH, N_PROTOTYPES), dtype=jnp.float32)
    mask_idx = jax.random.randint(k2, (BATCH,), 0, N_MASKS, dtype=jnp.int64)
    prototype_knobs = 0.1 * jax.random.normal(k3, (N_MASKS, N_PROTOTYPES), dtype=jnp.float32)
    return {"in_repr": in_repr, "mask_idx": mask_idx, "prototype_knobs": prototype_knobs}

def reference(in_repr, mask_idx, prototype_knobs):
    # gather the per-sample knob rows from the learned mask table
    knobs = jnp.take(prototype_knobs, mask_idx, axis=0)
    return in_repr + knobs

if __name__ == "__main__":
    import jax
    _d = setup_inputs()
    print(jax.jit(kernel)(*tuple(_d.values())))

</pallas_src>

<mosaic_0001>
#map = affine_map<(d0, d1) -> (0, 0)>
#map1 = affine_map<(d0, d1) -> (0)>
module attributes {stable_mosaic.version = 14 : i64} {
  func.func @_proto_add_t(%arg0: i32, %arg1: i32, %arg2: memref<64x16384xf32, #tpu.memory_space<hbm>>, %arg3: memref<16384xi32, #tpu.memory_space<hbm>>, %arg4: memref<64x100000xf32, #tpu.memory_space<hbm>>, %arg5: memref<64x16384xf32, #tpu.memory_space<hbm>>, %arg6: memref<100000xf32, #tpu.memory_space<vmem>>, %arg7: memref<16384xi32, #tpu.memory_space<vmem>>, %arg8: memref<2048xf32, #tpu.memory_space<vmem>>, %arg9: memref<2048xf32, #tpu.memory_space<vmem>>, %arg10: memref<2048xf32, #tpu.memory_space<vmem>>, %arg11: memref<2048xf32, #tpu.memory_space<vmem>>, %arg12: memref<!tpu.dma_semaphore, #tpu.memory_space<semaphore_mem>>, %arg13: memref<!tpu.dma_semaphore, #tpu.memory_space<semaphore_mem>>, %arg14: memref<!tpu.dma_semaphore, #tpu.memory_space<semaphore_mem>>, %arg15: memref<!tpu.dma_semaphore, #tpu.memory_space<semaphore_mem>>, %arg16: memref<!tpu.dma_semaphore, #tpu.memory_space<semaphore_mem>>, %arg17: memref<!tpu.dma_semaphore, #tpu.memory_space<semaphore_mem>>) attributes {dimension_semantics = [#tpu.dimension_semantics<core_parallel>, #tpu.dimension_semantics<subcore_parallel>], iteration_bounds = array<i64: 2, 16>, scalar_prefetch = 0 : i64, scratch_operands = 12 : i64, tpu.core_type = #tpu.core_type<sc_vector_subcore>, window_params = [{transform_indices = #map}, {transform_indices = #map1}, {transform_indices = #map}, {transform_indices = #map}]} {
    %mul3A = arith.constant 2 : i32
    %mul3A_0 = arith.muli %arg1, %mul3A : i32
    %add3A = arith.addi %mul3A_0, %arg0 : i32
    %add3A_1 = arith.constant 32 : i32
    %add3A_2 = arith.addi %add3A_1, %add3A : i32
    tpu.enqueue_dma source(%arg3 : memref<16384xi32, #tpu.memory_space<hbm>>) target(%arg7 : memref<16384xi32, #tpu.memory_space<vmem>>) target_semaphore(%arg13 : memref<!tpu.dma_semaphore, #tpu.memory_space<semaphore_mem>>)
    %dma_start3A = arith.constant 0 : i32
    %dma_start3A_3 = tpu.memref_slice %arg2[%add3A, %dma_start3A] : memref<64x16384xf32, #tpu.memory_space<hbm>> -> memref<1x16384xf32, #tpu.memory_space<hbm>>
    %dma_start3A_4 = tpu.memref_squeeze %dma_start3A_3 : memref<1x16384xf32, #tpu.memory_space<hbm>> -> memref<16384xf32, #tpu.memory_space<hbm>>
    %dma_start3A_5 = arith.constant 0 : i32
    %dma_start3A_6 = tpu.memref_slice %dma_start3A_4[%dma_start3A_5] : memref<16384xf32, #tpu.memory_space<hbm>> -> memref<2048xf32, #tpu.memory_space<hbm>>
    %dma_start3A_7 = arith.constant 0 : i32
    %dma_start3A_8 = tpu.memref_slice %arg2[%add3A, %dma_start3A_7] : memref<64x16384xf32, #tpu.memory_space<hbm>> -> memref<1x16384xf32, #tpu.memory_space<hbm>>
    %dma_start3A_9 = tpu.memref_squeeze %dma_start3A_8 : memref<1x16384xf32, #tpu.memory_space<hbm>> -> memref<16384xf32, #tpu.memory_space<hbm>>
    %dma_start3A_10 = arith.constant 0 : i32
    %dma_start3A_11 = tpu.memref_slice %dma_start3A_9[%dma_start3A_10] : memref<16384xf32, #tpu.memory_space<hbm>> -> memref<2048xf32, #tpu.memory_space<hbm>>
    tpu.enqueue_dma source(%dma_start3A_11 : memref<2048xf32, #tpu.memory_space<hbm>>) target(%arg8 : memref<2048xf32, #tpu.memory_space<vmem>>) target_semaphore(%arg14 : memref<!tpu.dma_semaphore, #tpu.memory_space<semaphore_mem>>)
    %dma_start3A_12 = arith.constant 0 : i32
    %dma_start3A_13 = tpu.memref_slice %arg2[%add3A, %dma_start3A_12] : memref<64x16384xf32, #tpu.memory_space<hbm>> -> memref<1x16384xf32, #tpu.memory_space<hbm>>
    %dma_start3A_14 = tpu.memref_squeeze %dma_start3A_13 : memref<1x16384xf32, #tpu.memory_space<hbm>> -> memref<16384xf32, #tpu.memory_space<hbm>>
    %dma_start3A_15 = arith.constant 2048 : i32
    %dma_start3A_16 = tpu.memref_slice %dma_start3A_14[%dma_start3A_15] : memref<16384xf32, #tpu.memory_space<hbm>> -> memref<2048xf32, #tpu.memory_space<hbm>>
    %dma_start3A_17 = arith.constant 0 : i32
    %dma_start3A_18 = tpu.memref_slice %arg2[%add3A, %dma_start3A_17] : memref<64x16384xf32, #tpu.memory_space<hbm>> -> memref<1x16384xf32, #tpu.memory_space<hbm>>
    %dma_start3A_19 = tpu.memref_squeeze %dma_start3A_18 : memref<1x16384xf32, #tpu.memory_space<hbm>> -> memref<16384xf32, #tpu.memory_space<hbm>>
    %dma_start3A_20 = arith.constant 2048 : i32
    %dma_start3A_21 = tpu.memref_slice %dma_start3A_19[%dma_start3A_20] : memref<16384xf32, #tpu.memory_space<hbm>> -> memref<2048xf32, #tpu.memory_space<hbm>>
    tpu.enqueue_dma source(%dma_start3A_21 : memref<2048xf32, #tpu.memory_space<hbm>>) target(%arg9 : memref<2048xf32, #tpu.memory_space<vmem>>) target_semaphore(%arg15 : memref<!tpu.dma_semaphore, #tpu.memory_space<semaphore_mem>>)
    %dma_start3A_22 = arith.constant 0 : i32
    %dma_start3A_23 = tpu.memref_slice %arg4[%add3A, %dma_start3A_22] : memref<64x100000xf32, #tpu.memory_space<hbm>> -> memref<1x100000xf32, #tpu.memory_space<hbm>>
    %dma_start3A_24 = tpu.memref_squeeze %dma_start3A_23 : memref<1x100000xf32, #tpu.memory_space<hbm>> -> memref<100000xf32, #tpu.memory_space<hbm>>
    %dma_start3A_25 = arith.constant 0 : i32
    %dma_start3A_26 = tpu.memref_slice %arg4[%add3A, %dma_start3A_25] : memref<64x100000xf32, #tpu.memory_space<hbm>> -> memref<1x100000xf32, #tpu.memory_space<hbm>>
    %dma_start3A_27 = tpu.memref_squeeze %dma_start3A_26 : memref<1x100000xf32, #tpu.memory_space<hbm>> -> memref<100000xf32, #tpu.memory_space<hbm>>
    tpu.enqueue_dma source(%dma_start3A_27 : memref<100000xf32, #tpu.memory_space<hbm>>) target(%arg6 : memref<100000xf32, #tpu.memory_space<vmem>>) target_semaphore(%arg12 : memref<!tpu.dma_semaphore, #tpu.memory_space<semaphore_mem>>)
    tpu.wait_dma2 semaphore(%arg13 : memref<!tpu.dma_semaphore, #tpu.memory_space<semaphore_mem>>) src(%arg3 : memref<16384xi32, #tpu.memory_space<hbm>>) dst(%arg7 : memref<16384xi32, #tpu.memory_space<vmem>>)
    %scan3A = arith.constant 0 : i32
    %scan3A_28 = arith.constant 0 : i32
    %scan3A_29 = arith.constant 8 : i32
    %scan3A_30 = arith.addi %scan3A_28, %scan3A_29 : i32
    %scan3A_31 = arith.constant 1 : i32
    scf.for %scan3A_52 = %scan3A_28 to %scan3A_30 step %scan3A_31  : i32 {
      %rem3A = arith.constant 4 : i32
      %rem3A_53 = arith.remsi %scan3A_52, %rem3A : i32
      %eq3A = arith.constant 0 : i32
      %eq3A_54 = arith.cmpi eq, %rem3A_53, %eq3A : i32
      %convert_element_type3A = arith.extui %eq3A_54 : i1 to i32
      %cond3A = arith.constant 0 : i32
      %cond3A_55 = arith.cmpi ne, %convert_element_type3A, %cond3A : i32
      scf.if %cond3A_55 {
        %dma_wait3A_142 = arith.constant 0 : i32
        %dma_wait3A_143 = tpu.memref_slice %arg4[%add3A, %dma_wait3A_142] : memref<64x100000xf32, #tpu.memory_space<hbm>> -> memref<1x100000xf32, #tpu.memory_space<hbm>>
        %dma_wait3A_144 = tpu.memref_squeeze %dma_wait3A_143 : memref<1x100000xf32, #tpu.memory_space<hbm>> -> memref<100000xf32, #tpu.memory_space<hbm>>
        %dma_wait3A_145 = arith.constant 0 : i32
        %dma_wait3A_146 = tpu.memref_slice %arg4[%add3A, %dma_wait3A_145] : memref<64x100000xf32, #tpu.memory_space<hbm>> -> memref<1x100000xf32, #tpu.memory_space<hbm>>
        %dma_wait3A_147 = tpu.memref_squeeze %dma_wait3A_146 : memref<1x100000xf32, #tpu.memory_space<hbm>> -> memref<100000xf32, #tpu.memory_space<hbm>>
        tpu.wait_dma2 semaphore(%arg12 : memref<!tpu.dma_semaphore, #tpu.memory_space<semaphore_mem>>) src(%dma_wait3A_147 : memref<100000xf32, #tpu.memory_space<hbm>>) dst(%arg6 : memref<100000xf32, #tpu.memory_space<vmem>>)
      } else {
      }
      %lt3A = arith.constant 4 : i32
      %lt3A_56 = arith.cmpi slt, %scan3A_52, %lt3A : i32
      %select_n3A = arith.select %lt3A_56, %add3A, %add3A_2 : i32
      %rem3A_57 = arith.constant 4 : i32
      %rem3A_58 = arith.remsi %scan3A_52, %rem3A_57 : i32
      %mul3A_59 = arith.constant 4096 : i32
      %mul3A_60 = arith.muli %rem3A_58, %mul3A_59 : i32
      %multiple_of3A = tpu.assume_multiple %mul3A_60, 4096 : i32
      %add3A_61 = arith.constant 0 : i32
      %add3A_62 = arith.addi %multiple_of3A, %add3A_61 : i32
      %dma_wait3A_63 = arith.constant 0 : i32
      %dma_wait3A_64 = tpu.memref_slice %arg2[%add3A, %dma_wait3A_63] : memref<64x16384xf32, #tpu.memory_space<hbm>> -> memref<1x16384xf32, #tpu.memory_space<hbm>>
      %dma_wait3A_65 = tpu.memref_squeeze %dma_wait3A_64 : memref<1x16384xf32, #tpu.memory_space<hbm>> -> memref<16384xf32, #tpu.memory_space<hbm>>
      %dma_wait3A_66 = arith.constant 0 : i32
      %dma_wait3A_67 = tpu.memref_slice %dma_wait3A_65[%dma_wait3A_66] : memref<16384xf32, #tpu.memory_space<hbm>> -> memref<2048xf32, #tpu.memory_space<hbm>>
      %dma_wait3A_68 = arith.constant 0 : i32
      %dma_wait3A_69 = tpu.memref_slice %arg2[%add3A, %dma_wait3A_68] : memref<64x16384xf32, #tpu.memory_space<hbm>> -> memref<1x16384xf32, #tpu.memory_space<hbm>>
      %dma_wait3A_70 = tpu.memref_squeeze %dma_wait3A_69 : memref<1x16384xf32, #tpu.memory_space<hbm>> -> memref<16384xf32, #tpu.memory_space<hbm>>
      %dma_wait3A_71 = arith.constant 0 : i32
      %dma_wait3A_72 = tpu.memref_slice %dma_wait3A_70[%dma_wait3A_71] : memref<16384xf32, #tpu.memory_space<hbm>> -> memref<2048xf32, #tpu.memory_space<hbm>>
      tpu.wait_dma2 semaphore(%arg14 : memref<!tpu.dma_semaphore, #tpu.memory_space<semaphore_mem>>) src(%dma_wait3A_72 : memref<2048xf32, #tpu.memory_space<hbm>>) dst(%arg8 : memref<2048xf32, #tpu.memory_space<vmem>>)
      %ge3A = arith.constant 1 : i32
      %ge3A_73 = arith.cmpi sge, %scan3A_52, %ge3A : i32
      %convert_element_type3A_74 = arith.extui %ge3A_73 : i1 to i32
      %cond3A_75 = arith.constant 0 : i32
      %cond3A_76 = arith.cmpi ne, %convert_element_type3A_74, %cond3A_75 : i32
      scf.if %cond3A_76 {
        %dma_wait3A_142 = arith.constant 0 : i32
        %dma_wait3A_143 = tpu.memref_slice %arg5[%add3A, %dma_wait3A_142] : memref<64x16384xf32, #tpu.memory_space<hbm>> -> memref<1x16384xf32, #tpu.memory_space<hbm>>
        %dma_wait3A_144 = tpu.memref_squeeze %dma_wait3A_143 : memref<1x16384xf32, #tpu.memory_space<hbm>> -> memref<16384xf32, #tpu.memory_space<hbm>>
        %dma_wait3A_145 = arith.constant 0 : i32
        %dma_wait3A_146 = tpu.memref_slice %dma_wait3A_144[%dma_wait3A_145] : memref<16384xf32, #tpu.memory_space<hbm>> -> memref<2048xf32, #tpu.memory_space<hbm>>
        %dma_wait3A_147 = arith.constant 0 : i32
        %dma_wait3A_148 = tpu.memref_slice %arg5[%add3A, %dma_wait3A_147] : memref<64x16384xf32, #tpu.memory_space<hbm>> -> memref<1x16384xf32, #tpu.memory_space<hbm>>
        %dma_wait3A_149 = tpu.memref_squeeze %dma_wait3A_148 : memref<1x16384xf32, #tpu.memory_space<hbm>> -> memref<16384xf32, #tpu.memory_space<hbm>>
        %dma_wait3A_150 = arith.constant 0 : i32
        %dma_wait3A_151 = tpu.memref_slice %dma_wait3A_149[%dma_wait3A_150] : memref<16384xf32, #tpu.memory_space<hbm>> -> memref<2048xf32, #tpu.memory_space<hbm>>
        tpu.wait_dma2 semaphore(%arg16 : memref<!tpu.dma_semaphore, #tpu.memory_space<semaphore_mem>>) src(%arg10 : memref<2048xf32, #tpu.memory_space<vmem>>) dst(%dma_wait3A_151 : memref<2048xf32, #tpu.memory_space<hbm>>)
      } else {
      }
      %parallel_loop3A = arith.constant 0 : i32
      %parallel_loop3A_77 = arith.constant 2048 : i32
      %parallel_loop3A_78 = arith.constant 16 : i32
      scf.for %parallel_loop3A_142 = %parallel_loop3A to %parallel_loop3A_77 step %parallel_loop3A_78  : i32 {
        %parallel_loop3A_143 = arith.addi %add3A_62, %parallel_loop3A_142 : i32
        %parallel_loop3A_144 = arith.index_cast %parallel_loop3A_143 : i32 to index
        %parallel_loop3A_145 = tpu.vector_load %arg7[%parallel_loop3A_144] {strides = array<i32>} : memref<16384xi32, #tpu.memory_space<vmem>>, vector<16xi32>,
        %parallel_loop3A_146 = tpu.vector_load_idx %arg6[%parallel_loop3A_145] : memref<100000xf32, #tpu.memory_space<vmem>>[vector<16xi32>], vector<16xf32>,
        %parallel_loop3A_147 = arith.index_cast %parallel_loop3A_142 : i32 to index
        %parallel_loop3A_148 = tpu.vector_load %arg8[%parallel_loop3A_147] {strides = array<i32>} : memref<2048xf32, #tpu.memory_space<vmem>>, vector<16xf32>,
        %parallel_loop3A_149 = arith.addf %parallel_loop3A_148, %parallel_loop3A_146 : vector<16xf32>
        %parallel_loop3A_150 = arith.index_cast %parallel_loop3A_142 : i32 to index
        %parallel_loop3A_151 = tpu.vector_load %arg10[%parallel_loop3A_150] {strides = array<i32>} : memref<2048xf32, #tpu.memory_space<vmem>>, vector<16xf32>,
        tpu.vector_store %arg10[%parallel_loop3A_150], %parallel_loop3A_149 {strides = array<i32>} : memref<2048xf32, #tpu.memory_space<vmem>>, vector<16xf32>,
      } {sc.loop_unroll_factor = 8 : i64, sc.parallel_access}
      %dma_start3A_79 = arith.constant 0 : i32
      %dma_start3A_80 = tpu.memref_slice %arg5[%select_n3A, %dma_start3A_79] : memref<64x16384xf32, #tpu.memory_space<hbm>> -> memref<1x16384xf32, #tpu.memory_space<hbm>>
      %dma_start3A_81 = tpu.memref_squeeze %dma_start3A_80 : memref<1x16384xf32, #tpu.memory_space<hbm>> -> memref<16384xf32, #tpu.memory_space<hbm>>
      %dma_start3A_82 = tpu.memref_slice %dma_start3A_81[%add3A_62] : memref<16384xf32, #tpu.memory_space<hbm>> -> memref<2048xf32, #tpu.memory_space<hbm>>
      %dma_start3A_83 = arith.constant 0 : i32
      %dma_start3A_84 = tpu.memref_slice %arg5[%select_n3A, %dma_start3A_83] : memref<64x16384xf32, #tpu.memory_space<hbm>> -> memref<1x16384xf32, #tpu.memory_space<hbm>>
      %dma_start3A_85 = tpu.memref_squeeze %dma_start3A_84 : memref<1x16384xf32, #tpu.memory_space<hbm>> -> memref<16384xf32, #tpu.memory_space<hbm>>
      %dma_start3A_86 = tpu.memref_slice %dma_start3A_85[%add3A_62] : memref<16384xf32, #tpu.memory_space<hbm>> -> memref<2048xf32, #tpu.memory_space<hbm>>
      tpu.enqueue_dma source(%arg10 : memref<2048xf32, #tpu.memory_space<vmem>>) target(%dma_start3A_86 : memref<2048xf32, #tpu.memory_space<hbm>>) target_semaphore(%arg16 : memref<!tpu.dma_semaphore, #tpu.memory_space<semaphore_mem>>)
      %mul3A_87 = arith.constant 2 : i32
      %mul3A_88 = arith.muli %mul3A_87, %scan3A_52 : i32
      %add3A_89 = arith.constant 0 : i32
      %add3A_90 = arith.addi %mul3A_88, %add3A_89 : i32
      %add3A_91 = arith.constant 2 : i32
      %add3A_92 = arith.addi %add3A_90, %add3A_91 : i32
      %lt3A_93 = arith.constant 16 : i32
      %lt3A_94 = arith.cmpi slt, %add3A_92, %lt3A_93 : i32
      %convert_element_type3A_95 = arith.extui %lt3A_94 : i1 to i32
      %cond3A_96 = arith.constant 0 : i32
      %cond3A_97 = arith.cmpi ne, %convert_element_type3A_95, %cond3A_96 : i32
      scf.if %cond3A_97 {
        %ge3A_142 = arith.constant 8 : i32
        %ge3A_143 = arith.cmpi sge, %add3A_92, %ge3A_142 : i32
        %select_n3A_144 = arith.select %ge3A_143, %add3A_2, %add3A : i32
        %mul3A_145 = arith.constant 2048 : i32
        %mul3A_146 = arith.muli %add3A_92, %mul3A_145 : i32
        %rem3A_147 = arith.constant 16384 : i32
        %rem3A_148 = arith.remsi %mul3A_146, %rem3A_147 : i32
        %multiple_of3A_149 = tpu.assume_multiple %rem3A_148, 2048 : i32
        %dma_start3A_150 = arith.constant 0 : i32
        %dma_start3A_151 = tpu.memref_slice %arg2[%select_n3A_144, %dma_start3A_150] : memref<64x16384xf32, #tpu.memory_space<hbm>> -> memref<1x16384xf32, #tpu.memory_space<hbm>>
        %dma_start3A_152 = tpu.memref_squeeze %dma_start3A_151 : memref<1x16384xf32, #tpu.memory_space<hbm>> -> memref<16384xf32, #tpu.memory_space<hbm>>
        %dma_start3A_153 = tpu.memref_slice %dma_start3A_152[%multiple_of3A_149] : memref<16384xf32, #tpu.memory_space<hbm>> -> memref<2048xf32, #tpu.memory_space<hbm>>
        %dma_start3A_154 = arith.constant 0 : i32
        %dma_start3A_155 = tpu.memref_slice %arg2[%select_n3A_144, %dma_start3A_154] : memref<64x16384xf32, #tpu.memory_space<hbm>> -> memref<1x16384xf32, #tpu.memory_space<hbm>>
        %dma_start3A_156 = tpu.memref_squeeze %dma_start3A_155 : memref<1x16384xf32, #tpu.memory_space<hbm>> -> memref<16384xf32, #tpu.memory_space<hbm>>
        %dma_start3A_157 = tpu.memref_slice %dma_start3A_156[%multiple_of3A_149] : memref<16384xf32, #tpu.memory_space<hbm>> -> memref<2048xf32, #tpu.memory_space<hbm>>
        tpu.enqueue_dma source(%dma_start3A_157 : memref<2048xf32, #tpu.memory_space<hbm>>) target(%arg8 : memref<2048xf32, #tpu.memory_space<vmem>>) target_semaphore(%arg14 : memref<!tpu.dma_semaphore, #tpu.memory_space<semaphore_mem>>)
      } else {
      }
      %add3A_98 = arith.constant 2048 : i32
      %add3A_99 = arith.addi %multiple_of3A, %add3A_98 : i32
      %dma_wait3A_100 = arith.constant 0 : i32
      %dma_wait3A_101 = tpu.memref_slice %arg2[%add3A, %dma_wait3A_100] : memref<64x16384xf32, #tpu.memory_space<hbm>> -> memref<1x16384xf32, #tpu.memory_space<hbm>>
      %dma_wait3A_102 = tpu.memref_squeeze %dma_wait3A_101 : memref<1x16384xf32, #tpu.memory_space<hbm>> -> memref<16384xf32, #tpu.memory_space<hbm>>
      %dma_wait3A_103 = arith.constant 0 : i32
      %dma_wait3A_104 = tpu.memref_slice %dma_wait3A_102[%dma_wait3A_103] : memref<16384xf32, #tpu.memory_space<hbm>> -> memref<2048xf32, #tpu.memory_space<hbm>>
      %dma_wait3A_105 = arith.constant 0 : i32
      %dma_wait3A_106 = tpu.memref_slice %arg2[%add3A, %dma_wait3A_105] : memref<64x16384xf32, #tpu.memory_space<hbm>> -> memref<1x16384xf32, #tpu.memory_space<hbm>>
      %dma_wait3A_107 = tpu.memref_squeeze %dma_wait3A_106 : memref<1x16384xf32, #tpu.memory_space<hbm>> -> memref<16384xf32, #tpu.memory_space<hbm>>
      %dma_wait3A_108 = arith.constant 0 : i32
      %dma_wait3A_109 = tpu.memref_slice %dma_wait3A_107[%dma_wait3A_108] : memref<16384xf32, #tpu.memory_space<hbm>> -> memref<2048xf32, #tpu.memory_space<hbm>>
      tpu.wait_dma2 semaphore(%arg15 : memref<!tpu.dma_semaphore, #tpu.memory_space<semaphore_mem>>) src(%dma_wait3A_109 : memref<2048xf32, #tpu.memory_space<hbm>>) dst(%arg9 : memref<2048xf32, #tpu.memory_space<vmem>>)
      %ge3A_110 = arith.constant 1 : i32
      %ge3A_111 = arith.cmpi sge, %scan3A_52, %ge3A_110 : i32
      %convert_element_type3A_112 = arith.extui %ge3A_111 : i1 to i32
      %cond3A_113 = arith.constant 0 : i32
      %cond3A_114 = arith.cmpi ne, %convert_element_type3A_112, %cond3A_113 : i32
      scf.if %cond3A_114 {
        %dma_wait3A_142 = arith.constant 0 : i32
        %dma_wait3A_143 = tpu.memref_slice %arg5[%add3A, %dma_wait3A_142] : memref<64x16384xf32, #tpu.memory_space<hbm>> -> memref<1x16384xf32, #tpu.memory_space<hbm>>
        %dma_wait3A_144 = tpu.memref_squeeze %dma_wait3A_143 : memref<1x16384xf32, #tpu.memory_space<hbm>> -> memref<16384xf32, #tpu.memory_space<hbm>>
        %dma_wait3A_145 = arith.constant 0 : i32
        %dma_wait3A_146 = tpu.memref_slice %dma_wait3A_144[%dma_wait3A_145] : memref<16384xf32, #tpu.memory_space<hbm>> -> memref<2048xf32, #tpu.memory_space<hbm>>
        %dma_wait3A_147 = arith.constant 0 : i32
        %dma_wait3A_148 = tpu.memref_slice %arg5[%add3A, %dma_wait3A_147] : memref<64x16384xf32, #tpu.memory_space<hbm>> -> memref<1x16384xf32, #tpu.memory_space<hbm>>
        %dma_wait3A_149 = tpu.memref_squeeze %dma_wait3A_148 : memref<1x16384xf32, #tpu.memory_space<hbm>> -> memref<16384xf32, #tpu.memory_space<hbm>>
        %dma_wait3A_150 = arith.constant 0 : i32
        %dma_wait3A_151 = tpu.memref_slice %dma_wait3A_149[%dma_wait3A_150] : memref<16384xf32, #tpu.memory_space<hbm>> -> memref<2048xf32, #tpu.memory_space<hbm>>
        tpu.wait_dma2 semaphore(%arg17 : memref<!tpu.dma_semaphore, #tpu.memory_space<semaphore_mem>>) src(%arg11 : memref<2048xf32, #tpu.memory_space<vmem>>) dst(%dma_wait3A_151 : memref<2048xf32, #tpu.memory_space<hbm>>)
      } else {
      }
      %parallel_loop3A_115 = arith.constant 0 : i32
      %parallel_loop3A_116 = arith.constant 2048 : i32
      %parallel_loop3A_117 = arith.constant 16 : i32
      scf.for %parallel_loop3A_142 = %parallel_loop3A_115 to %parallel_loop3A_116 step %parallel_loop3A_117  : i32 {
        %parallel_loop3A_143 = arith.addi %add3A_99, %parallel_loop3A_142 : i32
        %parallel_loop3A_144 = arith.index_cast %parallel_loop3A_143 : i32 to index
        %parallel_loop3A_145 = tpu.vector_load %arg7[%parallel_loop3A_144] {strides = array<i32>} : memref<16384xi32, #tpu.memory_space<vmem>>, vector<16xi32>,
        %parallel_loop3A_146 = tpu.vector_load_idx %arg6[%parallel_loop3A_145] : memref<100000xf32, #tpu.memory_space<vmem>>[vector<16xi32>], vector<16xf32>,
        %parallel_loop3A_147 = arith.index_cast %parallel_loop3A_142 : i32 to index
        %parallel_loop3A_148 = tpu.vector_load %arg9[%parallel_loop3A_147] {strides = array<i32>} : memref<2048xf32, #tpu.memory_space<vmem>>, vector<16xf32>,
        %parallel_loop3A_149 = arith.addf %parallel_loop3A_148, %parallel_loop3A_146 : vector<16xf32>
        %parallel_loop3A_150 = arith.index_cast %parallel_loop3A_142 : i32 to index
        %parallel_loop3A_151 = tpu.vector_load %arg11[%parallel_loop3A_150] {strides = array<i32>} : memref<2048xf32, #tpu.memory_space<vmem>>, vector<16xf32>,
        tpu.vector_store %arg11[%parallel_loop3A_150], %parallel_loop3A_149 {strides = array<i32>} : memref<2048xf32, #tpu.memory_space<vmem>>, vector<16xf32>,
      } {sc.loop_unroll_factor = 8 : i64, sc.parallel_access}
      %eq3A_118 = arith.constant 3 : i32
      %eq3A_119 = arith.cmpi eq, %scan3A_52, %eq3A_118 : i32
      %convert_element_type3A_120 = arith.extui %eq3A_119 : i1 to i32
      %cond3A_121 = arith.constant 0 : i32
      %cond3A_122 = arith.cmpi ne, %convert_element_type3A_120, %cond3A_121 : i32
      scf.if %cond3A_122 {
        %dma_start3A_142 = arith.constant 0 : i32
        %dma_start3A_143 = tpu.memref_slice %arg4[%add3A_2, %dma_start3A_142] : memref<64x100000xf32, #tpu.memory_space<hbm>> -> memref<1x100000xf32, #tpu.memory_space<hbm>>
        %dma_start3A_144 = tpu.memref_squeeze %dma_start3A_143 : memref<1x100000xf32, #tpu.memory_space<hbm>> -> memref<100000xf32, #tpu.memory_space<hbm>>
        %dma_start3A_145 = arith.constant 0 : i32
        %dma_start3A_146 = tpu.memref_slice %arg4[%add3A_2, %dma_start3A_145] : memref<64x100000xf32, #tpu.memory_space<hbm>> -> memref<1x100000xf32, #tpu.memory_space<hbm>>
        %dma_start3A_147 = tpu.memref_squeeze %dma_start3A_146 : memref<1x100000xf32, #tpu.memory_space<hbm>> -> memref<100000xf32, #tpu.memory_space<hbm>>
        tpu.enqueue_dma source(%dma_start3A_147 : memref<100000xf32, #tpu.memory_space<hbm>>) target(%arg6 : memref<100000xf32, #tpu.memory_space<vmem>>) target_semaphore(%arg12 : memref<!tpu.dma_semaphore, #tpu.memory_space<semaphore_mem>>)
      } else {
      }
      %dma_start3A_123 = arith.constant 0 : i32
      %dma_start3A_124 = tpu.memref_slice %arg5[%select_n3A, %dma_start3A_123] : memref<64x16384xf32, #tpu.memory_space<hbm>> -> memref<1x16384xf32, #tpu.memory_space<hbm>>
      %dma_start3A_125 = tpu.memref_squeeze %dma_start3A_124 : memref<1x16384xf32, #tpu.memory_space<hbm>> -> memref<16384xf32, #tpu.memory_space<hbm>>
      %dma_start3A_126 = tpu.memref_slice %dma_start3A_125[%add3A_99] : memref<16384xf32, #tpu.memory_space<hbm>> -> memref<2048xf32, #tpu.memory_space<hbm>>
      %dma_start3A_127 = arith.constant 0 : i32
      %dma_start3A_128 = tpu.memref_slice %arg5[%select_n3A, %dma_start3A_127] : memref<64x16384xf32, #tpu.memory_space<hbm>> -> memref<1x16384xf32, #tpu.memory_space<hbm>>
      %dma_start3A_129 = tpu.memref_squeeze %dma_start3A_128 : memref<1x16384xf32, #tpu.memory_space<hbm>> -> memref<16384xf32, #tpu.memory_space<hbm>>
      %dma_start3A_130 = tpu.memref_slice %dma_start3A_129[%add3A_99] : memref<16384xf32, #tpu.memory_space<hbm>> -> memref<2048xf32, #tpu.memory_space<hbm>>
      tpu.enqueue_dma source(%arg11 : memref<2048xf32, #tpu.memory_space<vmem>>) target(%dma_start3A_130 : memref<2048xf32, #tpu.memory_space<hbm>>) target_semaphore(%arg17 : memref<!tpu.dma_semaphore, #tpu.memory_space<semaphore_mem>>)
      %mul3A_131 = arith.constant 2 : i32
      %mul3A_132 = arith.muli %mul3A_131, %scan3A_52 : i32
      %add3A_133 = arith.constant 1 : i32
      %add3A_134 = arith.addi %mul3A_132, %add3A_133 : i32
      %add3A_135 = arith.constant 2 : i32
      %add3A_136 = arith.addi %add3A_134, %add3A_135 : i32
      %lt3A_137 = arith.constant 16 : i32
      %lt3A_138 = arith.cmpi slt, %add3A_136, %lt3A_137 : i32
      %convert_element_type3A_139 = arith.extui %lt3A_138 : i1 to i32
      %cond3A_140 = arith.constant 0 : i32
      %cond3A_141 = arith.cmpi ne, %convert_element_type3A_139, %cond3A_140 : i32
      scf.if %cond3A_141 {
        %ge3A_142 = arith.constant 8 : i32
        %ge3A_143 = arith.cmpi sge, %add3A_136, %ge3A_142 : i32
        %select_n3A_144 = arith.select %ge3A_143, %add3A_2, %add3A : i32
        %mul3A_145 = arith.constant 2048 : i32
        %mul3A_146 = arith.muli %add3A_136, %mul3A_145 : i32
        %rem3A_147 = arith.constant 16384 : i32
        %rem3A_148 = arith.remsi %mul3A_146, %rem3A_147 : i32
        %multiple_of3A_149 = tpu.assume_multiple %rem3A_148, 2048 : i32
        %dma_start3A_150 = arith.constant 0 : i32
        %dma_start3A_151 = tpu.memref_slice %arg2[%select_n3A_144, %dma_start3A_150] : memref<64x16384xf32, #tpu.memory_space<hbm>> -> memref<1x16384xf32, #tpu.memory_space<hbm>>
        %dma_start3A_152 = tpu.memref_squeeze %dma_start3A_151 : memref<1x16384xf32, #tpu.memory_space<hbm>> -> memref<16384xf32, #tpu.memory_space<hbm>>
        %dma_start3A_153 = tpu.memref_slice %dma_start3A_152[%multiple_of3A_149] : memref<16384xf32, #tpu.memory_space<hbm>> -> memref<2048xf32, #tpu.memory_space<hbm>>
        %dma_start3A_154 = arith.constant 0 : i32
        %dma_start3A_155 = tpu.memref_slice %arg2[%select_n3A_144, %dma_start3A_154] : memref<64x16384xf32, #tpu.memory_space<hbm>> -> memref<1x16384xf32, #tpu.memory_space<hbm>>
        %dma_start3A_156 = tpu.memref_squeeze %dma_start3A_155 : memref<1x16384xf32, #tpu.memory_space<hbm>> -> memref<16384xf32, #tpu.memory_space<hbm>>
        %dma_start3A_157 = tpu.memref_slice %dma_start3A_156[%multiple_of3A_149] : memref<16384xf32, #tpu.memory_space<hbm>> -> memref<2048xf32, #tpu.memory_space<hbm>>
        tpu.enqueue_dma source(%dma_start3A_157 : memref<2048xf32, #tpu.memory_space<hbm>>) target(%arg9 : memref<2048xf32, #tpu.memory_space<vmem>>) target_semaphore(%arg15 : memref<!tpu.dma_semaphore, #tpu.memory_space<semaphore_mem>>)
      } else {
      }
    }
    %scan3A_32 = arith.constant 8 : i32
    %dma_wait3A = arith.constant 0 : i32
    %dma_wait3A_33 = tpu.memref_slice %arg5[%add3A, %dma_wait3A] : memref<64x16384xf32, #tpu.memory_space<hbm>> -> memref<1x16384xf32, #tpu.memory_space<hbm>>
    %dma_wait3A_34 = tpu.memref_squeeze %dma_wait3A_33 : memref<1x16384xf32, #tpu.memory_space<hbm>> -> memref<16384xf32, #tpu.memory_space<hbm>>
    %dma_wait3A_35 = arith.constant 0 : i32
    %dma_wait3A_36 = tpu.memref_slice %dma_wait3A_34[%dma_wait3A_35] : memref<16384xf32, #tpu.memory_space<hbm>> -> memref<2048xf32, #tpu.memory_space<hbm>>
    %dma_wait3A_37 = arith.constant 0 : i32
    %dma_wait3A_38 = tpu.memref_slice %arg5[%add3A, %dma_wait3A_37] : memref<64x16384xf32, #tpu.memory_space<hbm>> -> memref<1x16384xf32, #tpu.memory_space<hbm>>
    %dma_wait3A_39 = tpu.memref_squeeze %dma_wait3A_38 : memref<1x16384xf32, #tpu.memory_space<hbm>> -> memref<16384xf32, #tpu.memory_space<hbm>>
    %dma_wait3A_40 = arith.constant 0 : i32
    %dma_wait3A_41 = tpu.memref_slice %dma_wait3A_39[%dma_wait3A_40] : memref<16384xf32, #tpu.memory_space<hbm>> -> memref<2048xf32, #tpu.memory_space<hbm>>
    tpu.wait_dma2 semaphore(%arg16 : memref<!tpu.dma_semaphore, #tpu.memory_space<semaphore_mem>>) src(%arg10 : memref<2048xf32, #tpu.memory_space<vmem>>) dst(%dma_wait3A_41 : memref<2048xf32, #tpu.memory_space<hbm>>)
    %dma_wait3A_42 = arith.constant 0 : i32
    %dma_wait3A_43 = tpu.memref_slice %arg5[%add3A, %dma_wait3A_42] : memref<64x16384xf32, #tpu.memory_space<hbm>> -> memref<1x16384xf32, #tpu.memory_space<hbm>>
    %dma_wait3A_44 = tpu.memref_squeeze %dma_wait3A_43 : memref<1x16384xf32, #tpu.memory_space<hbm>> -> memref<16384xf32, #tpu.memory_space<hbm>>
    %dma_wait3A_45 = arith.constant 0 : i32
    %dma_wait3A_46 = tpu.memref_slice %dma_wait3A_44[%dma_wait3A_45] : memref<16384xf32, #tpu.memory_space<hbm>> -> memref<2048xf32, #tpu.memory_space<hbm>>
    %dma_wait3A_47 = arith.constant 0 : i32
    %dma_wait3A_48 = tpu.memref_slice %arg5[%add3A, %dma_wait3A_47] : memref<64x16384xf32, #tpu.memory_space<hbm>> -> memref<1x16384xf32, #tpu.memory_space<hbm>>
    %dma_wait3A_49 = tpu.memref_squeeze %dma_wait3A_48 : memref<1x16384xf32, #tpu.memory_space<hbm>> -> memref<16384xf32, #tpu.memory_space<hbm>>
    %dma_wait3A_50 = arith.constant 0 : i32
    %dma_wait3A_51 = tpu.memref_slice %dma_wait3A_49[%dma_wait3A_50] : memref<16384xf32, #tpu.memory_space<hbm>> -> memref<2048xf32, #tpu.memory_space<hbm>>
    tpu.wait_dma2 semaphore(%arg17 : memref<!tpu.dma_semaphore, #tpu.memory_space<semaphore_mem>>) src(%arg11 : memref<2048xf32, #tpu.memory_space<vmem>>) dst(%dma_wait3A_51 : memref<2048xf32, #tpu.memory_space<hbm>>)
    return
  }
}

</mosaic_0001>

<sc_bundles>
// kernel: kernel.3.cloned.1.call-start
scs
__scs_entry_jumppad:
0x0: {  	(pc) =	sbr.rel $0x88, $3  }
0x1: {  	(tag) =	ssettag $0x0;
	lr =	simm.s32 $0x1  }
0x2: {  	[smem:$0x3F9E] =	sst lr;
	_ =	strace $0xD0000000  }
0x3: {  	_ = 	snop  }
0x4: {  	_ = 	snop  }
0x5: {  	_ = 	snop  }
0x6: {  	_ = 	snop  }
0x7: {  	_ = 	snop  }
__scs_overlays_trampoline_lowered:
0x8: {  	[smem:$0x3FAD] =	sst s0  }
0x9: {  	[smem:$0x3FAE] =	sst s1  }
0xa: {  	[smem:$0x3FAF] =	sst s2  }
0xb: {  	[smem:$0x3FB0] =	sst s3  }
0xc: {  	[smem:$0x3FB1] =	sst s4  }
0xd: {  	[smem:$0x3FB2] =	sst s5  }
0xe: {  	[smem:$0x3FB3] =	sst s6  }
0xf: {  	[smem:$0x3FB4] =	sst s7  }
0x10: {  	[smem:$0x3FB5] =	sst s8  }
0x11: {  	[smem:$0x3FB6] =	sst s9;
	s0 =	simm.s32 @!p0 $0x0  }
0x12: {  	s1 =	sld [smem:$0x3F9C];
	s0 =	simm.s32 @p0 $0x1  }
0x13: {  	[smem:$0x3FB7] =	sst s0;
	s0 =	simm.s32 @!p1 $0x0  }
0x14: {  	s2 =	sld [smem:$0x3F9B];
	s0 =	simm.s32 @p1 $0x1  }
0x15: {  	[smem:$0x3FB8] =	sst s0;
	s0 =	simm.s32 @!p2 $0x0  }
0x16: {  	s3 =	sld [smem:$0x3FDB];
	s0 =	simm.s32 @p2 $0x1  }
0x17: {  	s4 =	simm.s32 $0x1BF5;
	[smem:$0x3FBA] =	sst s0  }
0x18: {  	s0 =	sld [smem:$0x3F9D];
	_ =	swait.ge [sflag:s4], $0x0  }
0x19: {  	s7 =	sld [smem:$0x3F9E]  }
0x1a: {  	s8 =	sadd.s32 $0xFFFFE003, lr  }
0x1b: {  	s9 =	sadd.s32 $0xFFFFFEF7, lr;
	s5 =	simm.s32 $0xFFFFFFFF;
	p2 =	slt.u32 s8, $0xFFFFF086  }
0x1c: {  	p1 =	slt.u32 s9, $0xF7A;
	s5 =	simm.s32 @!p2 $0x0  }
0x1d: {  	s5 =	simm.s32 @p1 $0x1;
	p0 =	seq.s32 s7, s2  }
0x1e: {  	s7 =	smul.u32 @!p0 $0xF7A, s2;
	p2 =	seq.s32 @!p0 s5, $0x0  }
0x1f: {  	s9 =	smul.u32 $0xF7A, s1;
	s8 =	simm.s32 @!p0 $0x1BF5;
	p2 =	por !p2, p0  }
0x20: {  	[sflag:s8] =	ssyncset.s32 @!p0 $0xFFFFF086;
	s6 =	sadd.s32 @!p0 s3, s7;
	s7 =	simm.s32 @!p0 $0x108  }
0x21: {  	s3 =	sadd.s32 s3, s9;
	s6 =	sadd.s32 @!p0 $0x88, s6;
	s7 =	simm.s32 @p2 $0x1082  }
0x22: {  	[simem:s7], [sflag:s8] =	dma.local @!p0 [hbm:s6], $0xF7A  }
0x23: {  	s9 =	sor.u32 $0xD0000000, s2;
	s6 =	simm.s32 $0x108;
	_ =	swait.ge @!p0 [sflag:s8], $0x0  }
0x24: {  	s3 =	sadd.s32 $0x88, s3;
	s6 =	simm.s32 @!p1 $0x1082;
	[sflag:s4] =	ssyncset.s32 $0xFFFFF086  }
0x25: {  	[simem:s6], [sflag:s4] =	dma.local [hbm:s3], $0xF7A  }
0x26: {  	[smem:$0x3F9E] =	sst s1;
	(tag) =	ssettag s2;
	_ =	strace s9  }
0x27: {  	s1 =	sld [smem:$0x3FAE]  }
0x28: {  	s2 =	sld [smem:$0x3FAF]  }
0x29: {  	s4 =	sld [smem:$0x3FB1]  }
0x2a: {  	p0 =	seq.s32 s5, $0x0;
	s5 =	sld [smem:$0x3FB2]  }
0x2b: {  	s6 =	sld [smem:$0x3FB3]  }
0x2c: {  	s7 =	sld [smem:$0x3FB4]  }
0x2d: {  	s3 =	simm.s32 $0x108;
	s8 =	sld [smem:$0x3FB5]  }
0x2e: {  	s3 =	simm.s32 @!p0 $0x1082;
	s9 =	sld [smem:$0x3FB6]  }
0x2f: {  	lr =	sadd.s32 s0, s3;
	s0 =	sld [smem:$0x3FAD]  }
0x30: {  	s3 =	sld [smem:$0x3FB0]  }
0x31: {  	[smem:$0x3FB9] =	sst s10  }
0x32: {  	s10 =	sld [smem:$0x3FB7];
	_ =	sdelay $0x3  }
0x33: {  	p0 =	seq.s32 s10, $0x1;
	s10 =	sld [smem:$0x3FB9];
	_ =	sdelay $0x3  }
0x34: {  	[smem:$0x3FB9] =	sst s10  }
0x35: {  	s10 =	sld [smem:$0x3FB8];
	_ =	sdelay $0x3  }
0x36: {  	p1 =	seq.s32 s10, $0x1;
	s10 =	sld [smem:$0x3FB9];
	_ =	sdelay $0x3  }
0x37: {  	[smem:$0x3FB9] =	sst s10  }
0x38: {  	s10 =	sld [smem:$0x3FBA]  }
0x39: {  	_ = 	snop;
	(pc) =	sbr.ind lr, $3  }
0x3a: {  	_ = 	snop  }
0x3b: {  	_ = 	snop  }
0x3c: {  	p2 =	seq.s32 s10, $0x1;
	s10 =	sld [smem:$0x3FB9]  }
0x3d: {  	_ =	shalt  }
0x3e: {  	_ =	shalt  }
0x3f: {  	_ =	shalt  }
0x40: {  	_ =	shalt  }
0x41: {  	_ =	shalt  }
0x42: {  	_ =	shalt  }
0x43: {  	_ =	shalt  }
0x44: {  	_ =	shalt  }
0x45: {  	_ =	shalt  }
0x46: {  	_ =	shalt  }
0x47: {  	_ =	shalt  }
0x48: {  	_ =	shalt  }
0x49: {  	_ =	shalt  }
0x4a: {  	_ =	shalt  }
0x4b: {  	_ =	shalt  }
0x4c: {  	_ =	shalt  }
0x4d: {  	_ =	shalt  }
0x4e: {  	_ =	shalt  }
0x4f: {  	_ =	shalt  }
0x50: {  	_ =	shalt  }
0x51: {  	_ =	shalt  }
0x52: {  	_ =	shalt  }
0x53: {  	_ =	shalt  }
0x54: {  	_ =	shalt  }
0x55: {  	_ =	shalt  }
0x56: {  	_ =	shalt  }
0x57: {  	_ =	shalt  }
0x58: {  	_ =	shalt  }
0x59: {  	_ =	shalt  }
0x5a: {  	_ =	shalt  }
0x5b: {  	_ =	shalt  }
0x5c: {  	_ =	shalt  }
0x5d: {  	_ =	shalt  }
0x5e: {  	_ =	shalt  }
0x5f: {  	_ =	shalt  }
0x60: {  	_ =	shalt  }
0x61: {  	_ =	shalt  }
0x62: {  	_ =	shalt  }
0x63: {  	_ =	shalt  }
0x64: {  	_ =	shalt  }
0x65: {  	_ =	shalt  }
0x66: {  	_ =	shalt  }
0x67: {  	_ =	shalt  }
0x68: {  	_ =	shalt  }
0x69: {  	_ =	shalt  }
0x6a: {  	_ =	shalt  }
0x6b: {  	_ =	shalt  }
0x6c: {  	_ =	shalt  }
0x6d: {  	_ =	shalt  }
0x6e: {  	_ =	shalt  }
0x6f: {  	_ =	shalt  }
0x70: {  	_ =	shalt  }
0x71: {  	_ =	shalt  }
0x72: {  	_ =	shalt  }
0x73: {  	_ =	shalt  }
0x74: {  	_ =	shalt  }
0x75: {  	_ =	shalt  }
0x76: {  	_ =	shalt  }
0x77: {  	_ =	shalt  }
0x78: {  	_ =	shalt  }
0x79: {  	_ =	shalt  }
0x7a: {  	_ =	shalt  }
0x7b: {  	_ =	shalt  }
0x7c: {  	_ =	shalt  }
0x7d: {  	_ =	shalt  }
0x7e: {  	_ =	shalt  }
0x7f: {  	_ =	shalt  }
0x80: {  	_ =	shalt  }
0x81: {  	_ =	shalt  }
0x82: {  	_ =	shalt  }
0x83: {  	_ =	shalt  }
0x84: {  	_ =	shalt  }
0x85: {  	_ =	shalt  }
0x86: {  	_ =	shalt  }
0x87: {  	_ =	shalt  }
.Lfunc_end0:
.L_simem_size_0:
called_computation_lowered:
.L_overlay_start_0:
0x88: {  	s2 =	sld [smem:$0x3FD9]  }
0x89: {  	s3 =	sld [smem:$0x3FFE];
	_ =	sdelay $0x1  }
0x8a: {  	s1 =	srdreg.scid  }
0x8b: {  	s0 =	sand.u32 $0x1, s1  }
0x8c: {  	s18 =	sshll.u32 s0, $0xA;
	s2 =	sadd.s32 s3, s2  }
0x8d: {  	s2 =	sadd.s32 s2, s18  }
0x8e: {  	[smem:$0x3FC5] =	sst s2  }
0x8f: {  	_ = 	snop  }
0x90: {  	s2 =	sld [smem:$0x3FC9]  }
0x91: {  	s19 =	sld [smem:$0x3FC8]  }
0x92: {  	s4 =	sld [smem:$0x3FC7]  }
0x93: {  	s5 =	sld [smem:$0x3FD0];
	(tm) =	ssettm $0x1  }
0x94: {  	s6 =	sld [smem:$0x3FFB];
	_ =	sdelay $0x3  }
0x95: {  	_ =	strace s6  }
0x96: {  	s6 =	sld [smem:$0x3FFC];
	_ =	sdelay $0x3  }
0x97: {  	_ =	strace s6  }
0x98: {  	s6 =	sld [smem:$0x3FFD];
	_ =	sdelay $0x3  }
0x99: {  	_ =	strace s6  }
0x9a: {  	_ =	strace $0x8FFFFFFF  }
0x9b: {  	s20 =	sld [smem:$0x3FDB];
	_ =	sdelay $0x1  }
0x9c: {  	s7 =	simm.s32 $_scs_section_size  }
0x9d: {  	s8 =	simm.s32 $_size__tile_overlayer_lowered;
	s9 =	simm.s32 $_tile_overlayer_lowered  }
0x9e: {  	s23 =	simm.s32 $0x1BFF;
	s22 =	sshll.u32 s9, $0x1;
	s6 =	sadd.s32 s7, s20  }
0x9f: {  	s10 =	simm.s32 $0x0;
	s21 =	sshll.u32 s8, $0x1;
	s8 =	sadd.s32 s22, s6  }
0xa0: {  	[timem:s10], [sflag:s23] =	dma.local [hbm:s8], s21  }
0xa1: {  	_ =	swait.ge [sflag:s23], s21  }
0xa2: {  	s7 =	ssub.s32 $0x0, s21;
	[sflag:s23] =	ssyncset.done $0x0  }
0xa3: {  	[sflag:s23] =	ssyncadd.s32 s7;
	_ =	sdelay $0x1  }
0xa4: {  	s24 =	simm.s32 $0x1B8B  }
0xa5: {  	_ =	swait.ge [sflag:s24], $0x1  }
0xa6: {  	[sflag:s24] =	ssyncset.done $0x0  }
0xa7: {  	s25 =	simm.s32 $0x1B8E;
	[sflag:s24] =	ssyncadd.s32 $0xFFFFFFFF  }
0xa8: {  	s26 =	simm.s32 $execute0_lowered;
	[smem:$0x3FD2] =	sst s25  }
0xa9: {  	s7 =	sshll.u32 s26, $0x1;
	_ =	strace $0x80000046;
	[dreg:$0x1] =	wrdreg $0xFFFFFFFF  }
0xaa: {  	s28 =	simm.s32 $_size_execute0_lowered;
	s6 =	sadd.s32 s6, s7;
	[dreg:$0x0] =	wrdreg $0x0  }
0xab: {  	s7 =	sshll.u32 s28, $0x1;
	[dreg:$0x2] =	wrdreg s6  }
0xac: {  	[dreg:$0x3] =	wrdreg s7  }
0xad: {  	[dreg:$0x4] =	wrdreg $0xC0  }
0xae: {  	_ =	task [dreg:s10], $0x5FFFF  }
0xaf: {  	[dreg:$0x1] =	wrdreg $0xFFFFFFFF  }
0xb0: {  	[dreg:$0x0] =	wrdreg $0x60  }
0xb1: {  	[dreg:$0x2] =	wrdreg s2  }
0xb2: {  	[dreg:$0x3] =	wrdreg s19  }
0xb3: {  	[dreg:$0x4] =	wrdreg s4  }
0xb4: {  	[dreg:$0x5] =	wrdreg s5  }
0xb5: {  	[dreg:$0x6] =	wrdreg $0x9  }
0xb6: {  	_ =	task.clear_ibuf [dreg:s10], $0x7FFFF;
	_ =	strace $0x90000046  }
0xb7: {  	s29 =	simm.s32 $0x9;
	_ =	strace $0x80000048  }
0xb8: {  	_ =	swait.ge [sflag:s29], $0x1  }
0xb9: {  	[sflag:s29] =	ssyncadd.s32 $0xFFFFFFFF  }
0xba: {  	_ =	strace $0x90000048  }
0xbb: {  	_ =	sfence  }
0xbc: {  	s30 =	sld [smem:$0x0];
	_ =	sdelay $0x2  }
0xbd: {  	s31 =	sshll.u32 s1, $0xD;
	s1 =	sshrl.u32 s1, $0x2  }
0xbe: {  	s3 =	sand.u32 $0x4000, s31;
	s1 =	sadd.s32 s1, s30  }
0xbf: {  	s0 =	sor.u32 s3, s0;
	s1 =	sshll.u32 s1, $0x11  }
0xc0: {  	s0 =	sor.u32 s1, s0  }
0xc1: {  	s0 =	sadd.s32 $0x8F2B, s0  }
0xc2: {  	[sflag:s0] =	ssyncadd.remote.s32 $0x1  }
0xc3: {  	_ =	sfence.sel $0xFFFF  }
0xc4: {  	[dreg:$0x0] =	wrdreg $0xFFFFFFFF;
	(pc) =	sbr.abs _section_cstart, $3  }
0xc5: {  	[dreg:$0x1] =	wrdreg $0xFFFFFFFF  }
0xc6: {  	_ =	task.clear_ibuf [dreg:s10], $0x2FFFF;
	_ =	strace $0x9FFFFFFF  }
0xc7: {  	(tm) =	ssettm $0x7FFFFFFF  }
tec
execute0_lowered:
.L_overlay_start_1:
0x0: {  	(tag) =	ssettag $0x1  }
0x1: {  	s1 =	rddreg [dreg:$0x0]  }
0x2: {  	s0 =	rddreg [dreg:$0x2]  }
0x3: {  	s4 =	rddreg [dreg:$0x3]  }
0x4: {  	s2 =	srdreg.scid;
	s8 =	stileid.u32;
	s5 =	simm.s32 $0x0  }
0x5: {  	s14 =	simm.s32 $0x80;
	s15 =	simm.s32 $0x400;
	s17 =	simm.s32 $0x1CF00  }
0x6: {  	s18 =	simm.s32 $0x2;
	s19 =	simm.s32 $0x3;
	s20 =	simm.s32 $0x1D700  }
0x7: {  	s21 =	simm.s32 $0x4;
	s22 =	simm.s32 $0x1DF00;
	s23 =	simm.s32 $0x5  }
0x8: {  	s24 =	simm.s32 $0x6;
	s2 =	sand.u32 $0x1, s2;
	s3 =	sshll.u32 s8, $0x1  }
0x9: {  	s25 =	simm.s32 $0x0;
	[smem:$0x7FF] =	sst s5;
	s6 =	sor.u32 s2, s3  }
0xa: {  	s8 =	sshrl.u32 s8, $0x2;
	_ =	strace $0x80000047;
	s7 =	sor.u32 $0x20, s6  }
0xb: {  	s9 =	sshll.u32 s8, $0x11;
	s8 =	smul.u32 $0xC3800, s8;
	s10 =	sshrl.u32 s7, $0x3  }
0xc: {  	s2 =	ssub.s32 $0x2, s2;
	s3 =	sshll.u32 s6, $0x7;
	s10 =	smul.u32 $0xC3800, s10  }
.Ltmp0:
0xd: {  	s11 =	sshrl.u32 s2, $0x1;
	s3 =	sand.u32 $0x380, s3;
	(pc) =	sbr.rel .LBB2_1-.Ltmp0, $4  }
0xe: {  	s2 =	ssub.s32 s2, s11;
	s9 =	sor.u32 s9, s3;
	s31 =	sor.u32 s8, s3  }
0xf: {  	s12 =	smax.u32 s2, $0x1;
	s9 =	sshrl.u32 s9, $0x3;
	s3 =	sor.u32 s3, s10  }
0x10: {  	s11 =	sshrl.u32 s31, $0x3;
	s8 =	sadd.s32 s1, s9;
	s3 =	sshrl.u32 s3, $0x3  }
0x11: {  	s10 =	sadd.s32 s0, s11;
	s9 =	sadd.s32 $0x800, s8;
	s11 =	sadd.s32 s0, s3  }
.LBB2_8:
0x12: {  	s25 =	sadd.s32 $0x1, s25  }
0x13: {  	_ =	swait.ge [sflag:s23], $0x800;
	p0 =	sne.s32 s25, s12  }
.Ltmp1:
0x14: {  	[sflag:s23] =	ssyncset.done $0x0;
	(pc) =	sbr.rel @!p0 .LBB2_9-.Ltmp1, $4  }
0x15: {  	[sflag:s23] =	ssyncadd.s32 $0xFFFFF800  }
0x16: {  	_ =	swait.ge [sflag:s24], $0x800  }
0x17: {  	[sflag:s24] =	ssyncset.done $0x0  }
0x18: {  	[sflag:s24] =	ssyncadd.s32 $0xFFFFF800  }
.LBB2_1:
0x19: {  	s0 =	rddreg [dreg:$0x1];
	s2 =	simm.s32 $0x18700  }
0x1a: {  	[tilespmem:s2], [sflag:$0x2] =	stream.linear.gather [hbm4b:s0+s5], $0x4000, $0x38;
	[tilespmem:$0x1E700] =	vst v63  }
0x1b: {  	s31 =	simm.s32 $0x1C700  }
0x1c: {  	[tilespmem:s31], [sflag:$0x3] =	stream.strided.gather [hbm4b:s8+s14], $0x800, s15, s14, $0x38;
	[tilespmem:$0x1E700] =	vst v63  }
0x1d: {  	_ = 	snop  }
0x1e: {  	[tilespmem:s17], [sflag:$0x4] =	stream.strided.gather [hbm4b:s9+s14], $0x800, s15, s14, $0x38;
	[tilespmem:$0x1E700] =	vst v63  }
0x1f: {  	_ = 	snop  }
0x20: {  	[tilespmem:s5], [sflag:$0x1] =	stream.strided.gather [hbm4b:s10+s14], $0x18700, s15, s14, $0x38;
	[tilespmem:$0x1E700] =	vst v63  }
0x21: {  	_ =	swait.ge [sflag:s18], $0x4000  }
0x22: {  	[sflag:s18] =	ssyncset.done $0x0  }
0x23: {  	s26 =	simm.s32 $0x0;
	s28 =	simm.s32 $0x0;
	[sflag:s18] =	ssyncadd.s32 $0xFFFFC000  }
.LBB2_2:
0x24: {  	s0 =	sand.u32 $0x3, s28  }
0x25: {  	p0 =	sne.s32 s0, $0x0  }
0x26: {  	s2 =	simm.s32 @!p0 $0x1  }
0x27: {  	_ =	swait.ge @!p0 [sflag:s2], $0x18700  }
0x28: {  	[sflag:s2] =	ssyncset.done @!p0 $0x0  }
0x29: {  	[sflag:s2] =	ssyncadd.s32 @!p0 $0xFFFE7900  }
0x2a: {  	_ =	swait.ge [sflag:s19], $0x800  }
0x2b: {  	p0 =	seq.s32 s28, $0x0;
	[sflag:s19] =	ssyncset.done $0x0  }
0x2c: {  	s2 =	simm.s32 @!p0 $0x5;
	[sflag:s19] =	ssyncadd.s32 $0xFFFFF800  }
0x2d: {  	s3 =	sshll.u32 s26, $0xC;
	_ =	swait.ge @!p0 [sflag:s2], $0x800  }
0x2e: {  	s3 =	sand.u32 $0x3000, s3;
	[sflag:s2] =	ssyncset.done @!p0 $0x0  }
0x2f: {  	s13 =	sor.u32 $0x18740, s3;
	[sflag:s2] =	ssyncadd.s32 @!p0 $0xFFFFF800  }
0x30: {  	v0 =	vld [tilespmem:s13+$0x30]  }
0x31: {  	v1 =	vld [tilespmem:s13+$0xFFFFFFD0]  }
0x32: {  	v2 =	vld [tilespmem:s13+$0xFFFFFFE0]  }
0x33: {  	v3 =	vld [tilespmem:s13+$0xFFFFFFF0]  }
0x34: {  	v5 =	vld [tilespmem:s13+$0x0]  }
0x35: {  	v6 =	vld [tilespmem:s13+$0x10]  }
0x36: {  	v7 =	vld [tilespmem:s13+$0x20]  }
0x37: {  	s30 =	simm.s32 $0x1C740;
	v8 =	vld [tilespmem:s13+$0xFFFFFFC0]  }
0x38: {  	v11 =	vld [tilespmem:s30+$0x30]  }
0x39: {  	v13 =	vld [tilespmem:s30+$0xFFFFFFC0]  }
0x3a: {  	v14 =	vld [tilespmem:s30+$0xFFFFFFD0]  }
0x3b: {  	v9 =	vld [tilespmem:s30+$0xFFFFFFE0]  }
0x3c: {  	v10 =	vld.idx.msk [tilespmem:v0+s5+$0x0], $0xffff  }
0x3d: {  	v12 =	vld.idx.msk [tilespmem:v1+s5+$0x0], $0xffff  }
0x3e: {  	v4 =	vld.idx.msk [tilespmem:v2+s5+$0x0], $0xffff  }
0x3f: {  	v3 =	vld.idx.msk [tilespmem:v3+s5+$0x0], $0xffff  }
0x40: {  	v2 =	vld.idx.msk [tilespmem:v5+s5+$0x0], $0xffff  }
0x41: {  	v8 =	vld.idx.msk [tilespmem:v8+s5+$0x0], $0xffff  }
0x42: {  	v0 =	vld.idx.msk [tilespmem:v6+s5+$0x0], $0xffff  }
0x43: {  	v1 =	vld.idx.msk [tilespmem:v7+s5+$0x0], $0xffff  }
0x44: {  	v5 =	vld [tilespmem:s30+$0xFFFFFFF0]  }
0x45: {  	p1 =	slt.u32 s28, $0x4;
	s31 =	smov.u32 s7;
	v6 =	vld [tilespmem:s30+$0x0];
	v10 =	vadd.f32 v11, v10  }
0x46: {  	s31 =	smov.u32 @p1 s6;
	s29 =	sor.u32 $0x18F70, s3;
	s3 =	simm.s32 $0x1D740;
	v7 =	vld [tilespmem:s30+$0x10];
	v11 =	vadd.f32 v13, v8  }
0x47: {  	s0 =	sshll.u32 s0, $0xC;
	s2 =	simm.s32 $0x0;
	s13 =	sadd.s32 $0x80, s13;
	v8 =	vld [tilespmem:s30+$0x20];
	[tilespmem:s3+$0x30] =	vst v10;
	v10 =	vadd.f32 v14, v12  }
.LBB2_3:
0x48: {  	v12 =	vld [tilespmem:s13+$0x30];
	s2 =	sadd.s32 $0x80, s2;
	[tilespmem:s3+$0xFFFFFFC0] =	vst v11;
	v4 =	vadd.f32 v9, v4  }
0x49: {  	v9 =	vld [tilespmem:s13+$0xFFFFFFD0];
	p1 =	slt.u32 s2, $0x780;
	[tilespmem:s3+$0xFFFFFFD0] =	vst v10;
	v3 =	vadd.f32 v5, v3  }
0x4a: {  	v5 =	vld [tilespmem:s13+$0xFFFFFFE0];
	[tilespmem:s3+$0xFFFFFFE0] =	vst v4;
	v2 =	vadd.f32 v6, v2  }
0x4b: {  	v6 =	vld [tilespmem:s13+$0xFFFFFFF0];
	[tilespmem:s3+$0xFFFFFFF0] =	vst v3;
	v0 =	vadd.f32 v7, v0  }
0x4c: {  	v7 =	vld [tilespmem:s13+$0x0];
	[tilespmem:s3+$0x0] =	vst v2;
	v1 =	vadd.f32 v8, v1  }
0x4d: {  	v8 =	vld [tilespmem:s13+$0x10];
	[tilespmem:s3+$0x10] =	vst v0  }
0x4e: {  	v10 =	vld [tilespmem:s13+$0x20];
	[tilespmem:s3+$0x20] =	vst v1  }
0x4f: {  	v1 =	vld [tilespmem:s13+$0xFFFFFFC0]  }
0x50: {  	s30 =	sadd.s32 $0x80, s30;
	v11 =	vld.idx.msk [tilespmem:v12+s5+$0x0], $0xffff  }
0x51: {  	v12 =	vld [tilespmem:s30+$0x30]  }
0x52: {  	v13 =	vld.idx.msk [tilespmem:v9+s5+$0x0], $0xffff  }
0x53: {  	v4 =	vld.idx.msk [tilespmem:v5+s5+$0x0], $0xffff  }
0x54: {  	v3 =	vld.idx.msk [tilespmem:v6+s5+$0x0], $0xffff  }
0x55: {  	v2 =	vld.idx.msk [tilespmem:v7+s5+$0x0], $0xffff  }
0x56: {  	v0 =	vld.idx.msk [tilespmem:v8+s5+$0x0], $0xffff;
	v5 =	vadd.f32 v12, v11  }
0x57: {  	s3 =	sadd.s32 $0x80, s3;
	v7 =	vld.idx.msk [tilespmem:v1+s5+$0x0], $0xffff  }
0x58: {  	v1 =	vld.idx.msk [tilespmem:v10+s5+$0x0], $0xffff;
	[tilespmem:s3+$0x30] =	vst v5  }
0x59: {  	v8 =	vld [tilespmem:s30+$0xFFFFFFC0]  }
0x5a: {  	v10 =	vld [tilespmem:s30+$0xFFFFFFD0]  }
.Ltmp2:
0x5b: {  	v9 =	vld [tilespmem:s30+$0xFFFFFFE0];
	(pc) =	sbr.rel @p1 .LBB2_3-.Ltmp2, $4  }
0x5c: {  	v5 =	vld [tilespmem:s30+$0xFFFFFFF0]  }
0x5d: {  	v6 =	vld [tilespmem:s30+$0x0]  }
0x5e: {  	v11 =	vadd.f32 v8, v7;
	v7 =	vld [tilespmem:s30+$0x10]  }
0x5f: {  	s13 =	sadd.s32 $0x80, s13;
	v10 =	vadd.f32 v10, v13;
	v8 =	vld [tilespmem:s30+$0x20]  }
0x60: {  	[tilespmem:s3+$0xFFFFFFC0] =	vst v11;
	v4 =	vadd.f32 v9, v4  }
0x61: {  	[tilespmem:s3+$0xFFFFFFD0] =	vst v10;
	v3 =	vadd.f32 v5, v3  }
0x62: {  	s2 =	sshll.u32 s31, $0x4;
	[tilespmem:s3+$0xFFFFFFE0] =	vst v4;
	v2 =	vadd.f32 v6, v2  }
0x63: {  	s13 =	sshll.u32 s31, $0xB;
	s2 =	sand.u32 $0x70, s2;
	[tilespmem:s3+$0xFFFFFFF0] =	vst v3;
	v0 =	vadd.f32 v7, v0  }
0x64: {  	s13 =	sand.u32 $0x1C000, s13;
	s2 =	sadd.s32 s4, s2;
	[tilespmem:s3+$0x0] =	vst v2;
	v1 =	vadd.f32 v8, v1  }
0x65: {  	p1 =	seq.s32 s28, $0x7;
	s31 =	sadd.s32 s13, s2;
	[tilespmem:s3+$0x10] =	vst v0  }
0x66: {  	p2 =	sgt.u32 @!p1 s28, $0x2;
	s2 =	sadd.s32 s0, s31;
	[tilespmem:s3+$0x20] =	vst v1  }
0x67: {  	[hbm4b:s2+s14] =	stream.strided.scatter [tilespmem:s20], [sflag:$0x5], $0x800, s15, s14, $0x38;
	[tilespmem:$0x1E700] =	vst v63  }
0x68: {  	p2 =	por !p2, p1;
	s2 =	smov.u32 s7  }
0x69: {  	s2 =	smov.u32 @p2 s6  }
0x6a: {  	s3 =	sshll.u32 @!p1 s2, $0x4  }
0x6b: {  	s30 =	sshll.u32 s28, $0xC;
	s2 =	sshll.u32 @!p1 s2, $0xB;
	s3 =	sand.u32 @!p1 $0x70, s3  }
0x6c: {  	s13 =	sadd.s32 @!p1 $0x1000, s30;
	s2 =	sand.u32 @!p1 $0x1C000, s2;
	s3 =	sadd.s32 @!p1 s1, s3  }
0x6d: {  	s16 =	simm.s32 @!p1 $0x1C700;
	s13 =	sand.u32 @!p1 $0x3000, s13;
	s2 =	sadd.s32 @!p1 s2, s3  }
0x6e: {  	s3 =	simm.s32 @!p1 $0x80;
	s2 =	sadd.s32 @!p1 s13, s2;
	s13 =	simm.s32 @!p1 $0x400  }
0x6f: {  	[tilespmem:s16], [sflag:$0x3] =	stream.strided.gather @!p1 [hbm4b:s2+s3], $0x800, s13, s3, $0x38;
	[tilespmem:$0x1E700] =	vst v63  }
0x70: {  	_ =	swait.ge [sflag:s21], $0x800  }
0x71: {  	[sflag:s21] =	ssyncset.done $0x0  }
0x72: {  	s2 =	simm.s32 @!p0 $0x6;
	[sflag:s21] =	ssyncadd.s32 $0xFFFFF800  }
0x73: {  	_ =	swait.ge @!p0 [sflag:s2], $0x800  }
0x74: {  	[sflag:s2] =	ssyncset.done @!p0 $0x0  }
0x75: {  	[sflag:s2] =	ssyncadd.s32 @!p0 $0xFFFFF800  }
0x76: {  	v0 =	vld [tilespmem:s29+$0x0]  }
0x77: {  	v1 =	vld [tilespmem:s29+$0xFFFFFFA0]  }
0x78: {  	v2 =	vld [tilespmem:s29+$0xFFFFFFB0]  }
0x79: {  	v3 =	vld [tilespmem:s29+$0xFFFFFFC0]  }
0x7a: {  	v5 =	vld [tilespmem:s29+$0xFFFFFFD0]  }
0x7b: {  	v6 =	vld [tilespmem:s29+$0xFFFFFFE0]  }
0x7c: {  	v7 =	vld [tilespmem:s29+$0xFFFFFFF0]  }
0x7d: {  	s3 =	simm.s32 $0x1CF40;
	v8 =	vld [tilespmem:s29+$0xFFFFFF90]  }
0x7e: {  	v11 =	vld [tilespmem:s3+$0x30]  }
0x7f: {  	v13 =	vld [tilespmem:s3+$0xFFFFFFC0]  }
0x80: {  	v14 =	vld [tilespmem:s3+$0xFFFFFFD0]  }
0x81: {  	v9 =	vld [tilespmem:s3+$0xFFFFFFE0]  }
0x82: {  	v10 =	vld.idx.msk [tilespmem:v0+s5+$0x0], $0xffff  }
0x83: {  	v12 =	vld.idx.msk [tilespmem:v1+s5+$0x0], $0xffff  }
0x84: {  	v4 =	vld.idx.msk [tilespmem:v2+s5+$0x0], $0xffff  }
0x85: {  	v3 =	vld.idx.msk [tilespmem:v3+s5+$0x0], $0xffff  }
0x86: {  	v2 =	vld.idx.msk [tilespmem:v5+s5+$0x0], $0xffff  }
0x87: {  	v8 =	vld.idx.msk [tilespmem:v8+s5+$0x0], $0xffff  }
0x88: {  	v0 =	vld.idx.msk [tilespmem:v6+s5+$0x0], $0xffff  }
0x89: {  	v1 =	vld.idx.msk [tilespmem:v7+s5+$0x0], $0xffff  }
0x8a: {  	v7 =	vld [tilespmem:s3+$0xFFFFFFF0]  }
0x8b: {  	v6 =	vld [tilespmem:s3+$0x0];
	v10 =	vadd.f32 v11, v10  }
0x8c: {  	s2 =	simm.s32 $0x1DF40;
	v5 =	vld [tilespmem:s3+$0x10];
	v11 =	vadd.f32 v13, v8  }
0x8d: {  	s0 =	sor.u32 $0x800, s0;
	s13 =	simm.s32 $0x0;
	s29 =	sadd.s32 $0x80, s29;
	v8 =	vld [tilespmem:s3+$0x20];
	[tilespmem:s2+$0x30] =	vst v10;
	v10 =	vadd.f32 v14, v12  }
.LBB2_5:
0x8e: {  	v12 =	vld [tilespmem:s29+$0x0];
	s13 =	sadd.s32 $0x80, s13;
	[tilespmem:s2+$0xFFFFFFC0] =	vst v11;
	v4 =	vadd.f32 v9, v4  }
0x8f: {  	v9 =	vld [tilespmem:s29+$0xFFFFFFA0];
	p0 =	slt.u32 s13, $0x780;
	[tilespmem:s2+$0xFFFFFFD0] =	vst v10;
	v3 =	vadd.f32 v7, v3  }
0x90: {  	v7 =	vld [tilespmem:s29+$0xFFFFFFB0];
	[tilespmem:s2+$0xFFFFFFE0] =	vst v4;
	v2 =	vadd.f32 v6, v2  }
0x91: {  	v6 =	vld [tilespmem:s29+$0xFFFFFFC0];
	[tilespmem:s2+$0xFFFFFFF0] =	vst v3;
	v0 =	vadd.f32 v5, v0  }
0x92: {  	v5 =	vld [tilespmem:s29+$0xFFFFFFD0];
	[tilespmem:s2+$0x0] =	vst v2;
	v1 =	vadd.f32 v8, v1  }
0x93: {  	v8 =	vld [tilespmem:s29+$0xFFFFFFE0];
	[tilespmem:s2+$0x10] =	vst v0  }
0x94: {  	v10 =	vld [tilespmem:s29+$0xFFFFFFF0];
	[tilespmem:s2+$0x20] =	vst v1  }
0x95: {  	v1 =	vld [tilespmem:s29+$0xFFFFFF90]  }
0x96: {  	s3 =	sadd.s32 $0x80, s3;
	v11 =	vld.idx.msk [tilespmem:v12+s5+$0x0], $0xffff  }
0x97: {  	v12 =	vld [tilespmem:s3+$0x30]  }
0x98: {  	v13 =	vld.idx.msk [tilespmem:v9+s5+$0x0], $0xffff  }
0x99: {  	v4 =	vld.idx.msk [tilespmem:v7+s5+$0x0], $0xffff  }
0x9a: {  	v3 =	vld.idx.msk [tilespmem:v6+s5+$0x0], $0xffff  }
0x9b: {  	v2 =	vld.idx.msk [tilespmem:v5+s5+$0x0], $0xffff  }
0x9c: {  	v0 =	vld.idx.msk [tilespmem:v8+s5+$0x0], $0xffff;
	v5 =	vadd.f32 v12, v11  }
0x9d: {  	s2 =	sadd.s32 $0x80, s2;
	v8 =	vld.idx.msk [tilespmem:v1+s5+$0x0], $0xffff  }
0x9e: {  	v1 =	vld.idx.msk [tilespmem:v10+s5+$0x0], $0xffff;
	[tilespmem:s2+$0x30] =	vst v5  }
0x9f: {  	v5 =	vld [tilespmem:s3+$0xFFFFFFC0]  }
0xa0: {  	v10 =	vld [tilespmem:s3+$0xFFFFFFD0]  }
.Ltmp3:
0xa1: {  	v9 =	vld [tilespmem:s3+$0xFFFFFFE0];
	(pc) =	sbr.rel @p0 .LBB2_5-.Ltmp3, $4  }
0xa2: {  	v7 =	vld [tilespmem:s3+$0xFFFFFFF0]  }
0xa3: {  	v6 =	vld [tilespmem:s3+$0x0]  }
0xa4: {  	v11 =	vadd.f32 v5, v8;
	v5 =	vld [tilespmem:s3+$0x10]  }
0xa5: {  	s29 =	sadd.s32 $0x80, s29;
	v10 =	vadd.f32 v10, v13;
	v8 =	vld [tilespmem:s3+$0x20]  }
0xa6: {  	[tilespmem:s2+$0xFFFFFFC0] =	vst v11;
	v4 =	vadd.f32 v9, v4  }
0xa7: {  	[tilespmem:s2+$0xFFFFFFD0] =	vst v10;
	v3 =	vadd.f32 v7, v3  }
0xa8: {  	[tilespmem:s2+$0xFFFFFFE0] =	vst v4;
	v2 =	vadd.f32 v6, v2  }
0xa9: {  	[tilespmem:s2+$0xFFFFFFF0] =	vst v3;
	v0 =	vadd.f32 v5, v0  }
0xaa: {  	[tilespmem:s2+$0x0] =	vst v2;
	v1 =	vadd.f32 v8, v1  }
.Ltmp4:
0xab: {  	p0 =	sne.s32 s28, $0x3;
	[tilespmem:s2+$0x10] =	vst v0;
	(pc) =	sbr.rel @p1 .LBB2_8-.Ltmp4, $4  }
0xac: {  	s3 =	simm.s32 @!p0 $0x400;
	s13 =	simm.s32 @!p0 $0x0;
	[tilespmem:s2+$0x20] =	vst v1;
	s2 =	simm.s32 @!p0 $0x80  }
0xad: {  	[tilespmem:s13], [sflag:$0x1] =	stream.strided.gather @!p0 [hbm4b:s11+s2], $0x18700, s3, s2, $0x38;
	[tilespmem:$0x1E700] =	vst v63  }
0xae: {  	s0 =	sadd.s32 s0, s31  }
0xaf: {  	[hbm4b:s0+s14] =	stream.strided.scatter [tilespmem:s22], [sflag:$0x6], $0x800, s15, s14, $0x38;
	[tilespmem:$0x1E700] =	vst v63  }
0xb0: {  	p0 =	sgt.u32 s28, $0x2;
	s0 =	smov.u32 s6  }
0xb1: {  	s0 =	smov.u32 @p0 s7  }
0xb2: {  	s2 =	sshll.u32 s0, $0x4  }
.Ltmp5:
0xb3: {  	s0 =	sshll.u32 s0, $0xB;
	s2 =	sand.u32 $0x70, s2;
	(pc) =	sbr.rel .LBB2_2-.Ltmp5, $4  }
0xb4: {  	s3 =	sadd.s32 $0x1800, s30;
	s0 =	sand.u32 $0x1C000, s0;
	s2 =	sadd.s32 s1, s2  }
0xb5: {  	s3 =	sand.u32 $0x3800, s3;
	s0 =	sadd.s32 s0, s2  }
0xb6: {  	s28 =	sadd.s32 $0x1, s28;
	s26 =	sadd.s32 $0x1, s26;
	s0 =	sadd.s32 s3, s0  }
0xb7: {  	[tilespmem:s17], [sflag:$0x4] =	stream.strided.gather [hbm4b:s0+s14], $0x800, s15, s14, $0x38;
	[tilespmem:$0x1E700] =	vst v63  }
.LBB2_9:
0xb8: {  	_ =	sfence.sel $0x180000  }
0xb9: {  	[bflag:$0x0] =	sbarrier.arrive $0xFFFF  }
0xba: {  	_ =	strace $0x90000047  }
0xbb: {  	s0 =	stileid.u32;
	[bflag:$0x2] =	sbarrier.arrive $0xFFFF  }
0xbc: {  	p0 =	sne.s32 s0, $0x0;
	s0 =	rddreg [dreg:$0x4]  }
0xbd: {  	s0 =	sadd.s32 @!p0 $0x100000, s0  }
0xbe: {  	[sflag:s0] =	ssyncadd.tile.s32 @!p0 $0x1;
	_ =	shalt  }
.Lfunc_end2:
_tile_overlayer_lowered:
.L_overlay_start_2:
0xbf: {  	(tag) =	ssettag $0x2  }
0xc0: {  	s0 =	rddreg [dreg:$0x0];
	s2 =	stileid.u32  }
0xc1: {  	s1 =	rddreg [dreg:$0x1];
	p0 =	sne.s32 s2, $0x0  }
0xc2: {  	s3 =	rddreg [dreg:$0x2];
	[bflag:$0x3] =	sbarrier.arrive $0xFFFF;
	s2 =	simm.s32 @!p0 $0x1C07  }
0xc3: {  	[timem:s3], [sflag:s2] =	dma.local @!p0 [hbm:s0], s1  }
0xc4: {  	s0 =	simm.s32 @!p0 $0x7  }
0xc5: {  	_ =	swait.ge @!p0 [sflag:s0], s1  }
0xc6: {  	s1 =	ssub.s32 @!p0 $0x0, s1;
	[sflag:s0] =	ssyncset.done @!p0 $0x0  }
0xc7: {  	[sflag:s0] =	ssyncadd.s32 @!p0 s1  }
0xc8: {  	[bflag:$0x3] =	sbarrier.arrive $0xFFFF  }
0xc9: {  	_ =	shalt  }

</sc_bundles>
